<compile_context>
chip_gen: v7x
topology: tpu7x:2x2x1
jax: 0.10.2.dev20260603
libtpu: 0.0.44.dev20260713+nightly
codegen_flags: <defaults>
</compile_context>

<pallas_src>
import functools

import jax
import jax.numpy as jnp
from jax import lax
from jax.experimental import pallas as pl
from jax.experimental.pallas import tpu as pltpu
from jax.experimental.pallas import tpu_sc as plsc

GRID_SIZE = 256
MIDPOINT = 128
B = 1_000_000

NC, NS, L = 2, 16, 16
NW = NC * NS
CHUNK = 4096
NJ = CHUNK // 128
NV = CHUNK // L
B_PAD = 1 << 20
PER_W = B_PAD // NW
NCHUNK = PER_W // CHUNK

_mesh = plsc.VectorSubcoreMesh(core_axis_name="c", subcore_axis_name="s")


@functools.partial(
    pl.kernel,
    out_type=jax.ShapeDtypeStruct((B_PAD,), jnp.int32),
    mesh=_mesh,
    scratch_types=[
        pltpu.VMEM((6 * CHUNK,), jnp.float32),
        pltpu.VMEM((CHUNK,), jnp.int32),
        pltpu.VMEM((CHUNK,), jnp.int32),
        pltpu.VMEM((CHUNK,), jnp.int32),
        pltpu.SemaphoreType.DMA,
    ],
)
def _sc_vis_gather(rays_hbm, cache_hbm, out_hbm, in_v, idx_v, vals_v, out_v, sem):
    wid = lax.axis_index("s") * NC + lax.axis_index("c")

    def chunk_body(c, carry):
        base = pl.multiple_of(wid * PER_W + c * CHUNK, CHUNK)

        for r in range(6):
            pltpu.sync_copy(
                rays_hbm.at[pl.ds(pl.multiple_of(r * B_PAD + base, CHUNK), CHUNK)],
                in_v.at[pl.ds(r * CHUNK, CHUNK)],
            )

        def vec_body(v, carry2):
            col = v * L
            ox = in_v[pl.ds(col, L)]
            oy = in_v[pl.ds(CHUNK + col, L)]
            oz = in_v[pl.ds(2 * CHUNK + col, L)]
            vx = in_v[pl.ds(3 * CHUNK + col, L)]
            vy = in_v[pl.ds(4 * CHUNK + col, L)]
            vz = in_v[pl.ds(5 * CHUNK + col, L)]

            m = jnp.maximum(jnp.maximum(jnp.abs(vx), jnp.abs(vy)), jnp.abs(vz))
            a = vx / m
            b = vy / m
            cc = vz / m
            f = jnp.zeros((L,), jnp.int32)
            f = jnp.where(a <= -1.0, jnp.int32(1), f)
            f = jnp.where(b >= 1.0, jnp.int32(2), f)
            f = jnp.where(b <= -1.0, jnp.int32(3), f)
            f = jnp.where(cc >= 1.0, jnp.int32(4), f)
            f = jnp.where(cc <= -1.0, jnp.int32(5), f)

            def coord(o):
                t = (o * 0.5 + 0.5) * jnp.float32(GRID_SIZE - 1)
                t = jnp.minimum(jnp.maximum(t, 0.0), jnp.float32(GRID_SIZE - 1))
                return t.astype(jnp.int32)

            ii = coord(ox)
            jj = coord(oy)
            kk = coord(oz)
            flat = ii * jnp.int32(GRID_SIZE * GRID_SIZE * 6) \
                + jj * jnp.int32(GRID_SIZE * 6) + kk * jnp.int32(6) + f

            idx_v[pl.ds(v * L, L)] = flat
            return carry2

        lax.fori_loop(0, NV, vec_body, 0)

        pltpu.sync_copy(cache_hbm.at[pl.ds(base, CHUNK)], vals_v)

        def cmp_body(v, carry2):
            vals = vals_v[pl.ds(v * L, L)]
            bit = jnp.where(vals > jnp.int32(MIDPOINT), jnp.int32(1), jnp.int32(0))
            out_v[pl.ds(v * L, L)] = bit
            return carry2

        lax.fori_loop(0, NV, cmp_body, 0)

        pltpu.sync_copy(out_v, out_hbm.at[pl.ds(base, CHUNK)])
        return carry

    lax.fori_loop(0, NCHUNK, chunk_body, 0)


def kernel(norm_ray_origins, viewdirs, cache):
    rays = jnp.concatenate([norm_ray_origins.T, viewdirs.T], axis=0)
    rays = jnp.pad(rays, ((0, 0), (0, B_PAD - B))).reshape(-1)
    cache_flat = cache.reshape(-1)
    out = _sc_vis_gather(rays, cache_flat)
    return out[:B].astype(jnp.bool_)

# --- scband reference (transcript-rebuilt; emitter-appended) ---
"""Pipeline reference for scband-naive-vis-cache-18854906429626 (READ-ONLY COPY).

The authoritative reference and input builder live on the scoring server;
editing this copy changes nothing except your own understanding.
"""

import jax, jax.numpy as jnp
import numpy as np

GRID_SIZE = 256
MIDPOINT = 128
B = 1000000


def _normalize_inf(v):
    # torch normalize(v, ord=inf): divide by max-abs along last dim
    return v / jnp.max(jnp.abs(v), axis=-1, keepdims=True)


def _rays2inds(norm_ray_origins, viewdirs, grid_size):
    sqdirs = _normalize_inf(viewdirs)  # mul = 1
    a = sqdirs[:, 0]
    b = sqdirs[:, 1]
    c = sqdirs[:, 2]
    face_index = jnp.zeros(a.shape[0], dtype=jnp.int32)
    quadrants = [a >= 1.0, a <= -1.0, b >= 1.0, b <= -1.0, c >= 1.0, c <= -1.0]
    # torch loop: later conditions overwrite earlier ones
    for idx, cond in enumerate(quadrants):
        face_index = jnp.where(cond, jnp.int32(idx), face_index)
    coords = ((norm_ray_origins / 2.0 + 0.5) * (grid_size - 1)).clip(0, grid_size - 1).astype(jnp.int32)
    return coords[..., 0], coords[..., 1], coords[..., 2], face_index


def setup_inputs(seed: int = 0) -> dict:
    key = jax.random.key(seed)
    k1, k2, k3 = jax.random.split(key, 3)
    norm_ray_origins = jax.random.normal(k1, (B, 3), dtype=jnp.float32)
    viewdirs = jax.random.normal(k2, (B, 3), dtype=jnp.float32)
    # buffer: uint8 visibility cache; kept as int32 (values 0..255) for dtype portability
    cache = jax.random.randint(k3, (GRID_SIZE, GRID_SIZE, GRID_SIZE, 6), 0, 256, dtype=jnp.int32)
    return {"norm_ray_origins": norm_ray_origins, "viewdirs": viewdirs, "cache": cache}


def reference(norm_ray_origins, viewdirs, cache):
    i, j, k, face_index = _rays2inds(norm_ray_origins, viewdirs, GRID_SIZE)
    vals = cache[i, j, k, face_index]  # gather of B values from ~100M-cell grid
    return vals > MIDPOINT

if __name__ == "__main__":
    import jax
    _d = setup_inputs()
    print(jax.jit(kernel)(*tuple(_d.values())))

</pallas_src>

<mosaic_0001>
#map = affine_map<(d0, d1) -> (0)>
module attributes {stable_mosaic.version = 14 : i64} {
  func.func @_sc_vis_gather(%arg0: i32, %arg1: i32, %arg2: memref<6291456xf32, #tpu.memory_space<hbm>>, %arg3: memref<100663296xi32, #tpu.memory_space<hbm>>, %arg4: memref<1048576xi32, #tpu.memory_space<hbm>>, %arg5: memref<24576xf32, #tpu.memory_space<vmem>>, %arg6: memref<4096xi32, #tpu.memory_space<vmem>>, %arg7: memref<4096xi32, #tpu.memory_space<vmem>>, %arg8: memref<4096xi32, #tpu.memory_space<vmem>>, %arg9: memref<!tpu.dma_semaphore, #tpu.memory_space<semaphore_mem>>) attributes {dimension_semantics = [#tpu.dimension_semantics<core_parallel>, #tpu.dimension_semantics<subcore_parallel>], iteration_bounds = array<i64: 2, 16>, scalar_prefetch = 0 : i64, scratch_operands = 5 : i64, tpu.core_type = #tpu.core_type<sc_vector_subcore>, window_params = [{transform_indices = #map}, {transform_indices = #map}, {transform_indices = #map}]} {
    %mul3A = arith.constant 2 : i32
    %mul3A_0 = arith.muli %arg1, %mul3A : i32
    %add3A = arith.addi %mul3A_0, %arg0 : i32
    %scan3A = arith.constant 0 : i32
    %scan3A_1 = arith.constant 0 : i32
    %scan3A_2 = arith.constant 8 : i32
    %scan3A_3 = arith.addi %scan3A_1, %scan3A_2 : i32
    %scan3A_4 = arith.constant 1 : i32
    scf.for %scan3A_6 = %scan3A_1 to %scan3A_3 step %scan3A_4  : i32 {
      %mul3A_7 = arith.constant 32768 : i32
      %mul3A_8 = arith.muli %add3A, %mul3A_7 : i32
      %mul3A_9 = arith.constant 4096 : i32
      %mul3A_10 = arith.muli %scan3A_6, %mul3A_9 : i32
      %add3A_11 = arith.addi %mul3A_8, %mul3A_10 : i32
      %multiple_of3A = tpu.assume_multiple %add3A_11, 4096 : i32
      %add3A_12 = arith.constant 0 : i32
      %add3A_13 = arith.addi %add3A_12, %multiple_of3A : i32
      %multiple_of3A_14 = tpu.assume_multiple %add3A_13, 4096 : i32
      "tpu.region"() ({
        %run_scoped3A = tpu.sem_alloc : memref<!tpu.dma_semaphore, #tpu.memory_space<semaphore_mem>>
        %dma_start3A = arith.constant 0 : i32
        %dma_start3A_42 = tpu.memref_slice %arg5[%dma_start3A] : memref<24576xf32, #tpu.memory_space<vmem>> -> memref<4096xf32, #tpu.memory_space<vmem>>
        %dma_start3A_43 = tpu.memref_slice %arg2[%multiple_of3A_14] : memref<6291456xf32, #tpu.memory_space<hbm>> -> memref<4096xf32, #tpu.memory_space<hbm>>
        %dma_start3A_44 = arith.constant 0 : i32
        %dma_start3A_45 = tpu.memref_slice %arg5[%dma_start3A_44] : memref<24576xf32, #tpu.memory_space<vmem>> -> memref<4096xf32, #tpu.memory_space<vmem>>
        %dma_start3A_46 = tpu.memref_slice %arg2[%multiple_of3A_14] : memref<6291456xf32, #tpu.memory_space<hbm>> -> memref<4096xf32, #tpu.memory_space<hbm>>
        tpu.enqueue_dma source(%dma_start3A_46 : memref<4096xf32, #tpu.memory_space<hbm>>) target(%dma_start3A_45 : memref<4096xf32, #tpu.memory_space<vmem>>) target_semaphore(%run_scoped3A : memref<!tpu.dma_semaphore, #tpu.memory_space<semaphore_mem>>)
        %dma_wait3A = arith.constant 0 : i32
        %dma_wait3A_47 = tpu.memref_slice %arg5[%dma_wait3A] : memref<24576xf32, #tpu.memory_space<vmem>> -> memref<4096xf32, #tpu.memory_space<vmem>>
        %dma_wait3A_48 = tpu.memref_slice %arg2[%multiple_of3A_14] : memref<6291456xf32, #tpu.memory_space<hbm>> -> memref<4096xf32, #tpu.memory_space<hbm>>
        %dma_wait3A_49 = arith.constant 0 : i32
        %dma_wait3A_50 = tpu.memref_slice %arg5[%dma_wait3A_49] : memref<24576xf32, #tpu.memory_space<vmem>> -> memref<4096xf32, #tpu.memory_space<vmem>>
        %dma_wait3A_51 = tpu.memref_slice %arg2[%multiple_of3A_14] : memref<6291456xf32, #tpu.memory_space<hbm>> -> memref<4096xf32, #tpu.memory_space<hbm>>
        tpu.wait_dma2 semaphore(%run_scoped3A : memref<!tpu.dma_semaphore, #tpu.memory_space<semaphore_mem>>) src(%dma_wait3A_51 : memref<4096xf32, #tpu.memory_space<hbm>>) dst(%dma_wait3A_50 : memref<4096xf32, #tpu.memory_space<vmem>>)
        tpu.yield
      }) : () -> ()
      %add3A_15 = arith.constant 1048576 : i32
      %add3A_16 = arith.addi %add3A_15, %multiple_of3A : i32
      %multiple_of3A_17 = tpu.assume_multiple %add3A_16, 4096 : i32
      "tpu.region"() ({
        %run_scoped3A = tpu.sem_alloc : memref<!tpu.dma_semaphore, #tpu.memory_space<semaphore_mem>>
        %dma_start3A = arith.constant 4096 : i32
        %dma_start3A_42 = tpu.memref_slice %arg5[%dma_start3A] : memref<24576xf32, #tpu.memory_space<vmem>> -> memref<4096xf32, #tpu.memory_space<vmem>>
        %dma_start3A_43 = tpu.memref_slice %arg2[%multiple_of3A_17] : memref<6291456xf32, #tpu.memory_space<hbm>> -> memref<4096xf32, #tpu.memory_space<hbm>>
        %dma_start3A_44 = arith.constant 4096 : i32
        %dma_start3A_45 = tpu.memref_slice %arg5[%dma_start3A_44] : memref<24576xf32, #tpu.memory_space<vmem>> -> memref<4096xf32, #tpu.memory_space<vmem>>
        %dma_start3A_46 = tpu.memref_slice %arg2[%multiple_of3A_17] : memref<6291456xf32, #tpu.memory_space<hbm>> -> memref<4096xf32, #tpu.memory_space<hbm>>
        tpu.enqueue_dma source(%dma_start3A_46 : memref<4096xf32, #tpu.memory_space<hbm>>) target(%dma_start3A_45 : memref<4096xf32, #tpu.memory_space<vmem>>) target_semaphore(%run_scoped3A : memref<!tpu.dma_semaphore, #tpu.memory_space<semaphore_mem>>)
        %dma_wait3A = arith.constant 4096 : i32
        %dma_wait3A_47 = tpu.memref_slice %arg5[%dma_wait3A] : memref<24576xf32, #tpu.memory_space<vmem>> -> memref<4096xf32, #tpu.memory_space<vmem>>
        %dma_wait3A_48 = tpu.memref_slice %arg2[%multiple_of3A_17] : memref<6291456xf32, #tpu.memory_space<hbm>> -> memref<4096xf32, #tpu.memory_space<hbm>>
        %dma_wait3A_49 = arith.constant 4096 : i32
        %dma_wait3A_50 = tpu.memref_slice %arg5[%dma_wait3A_49] : memref<24576xf32, #tpu.memory_space<vmem>> -> memref<4096xf32, #tpu.memory_space<vmem>>
        %dma_wait3A_51 = tpu.memref_slice %arg2[%multiple_of3A_17] : memref<6291456xf32, #tpu.memory_space<hbm>> -> memref<4096xf32, #tpu.memory_space<hbm>>
        tpu.wait_dma2 semaphore(%run_scoped3A : memref<!tpu.dma_semaphore, #tpu.memory_space<semaphore_mem>>) src(%dma_wait3A_51 : memref<4096xf32, #tpu.memory_space<hbm>>) dst(%dma_wait3A_50 : memref<4096xf32, #tpu.memory_space<vmem>>)
        tpu.yield
      }) : () -> ()
      %add3A_18 = arith.constant 2097152 : i32
      %add3A_19 = arith.addi %add3A_18, %multiple_of3A : i32
      %multiple_of3A_20 = tpu.assume_multiple %add3A_19, 4096 : i32
      "tpu.region"() ({
        %run_scoped3A = tpu.sem_alloc : memref<!tpu.dma_semaphore, #tpu.memory_space<semaphore_mem>>
        %dma_start3A = arith.constant 8192 : i32
        %dma_start3A_42 = tpu.memref_slice %arg5[%dma_start3A] : memref<24576xf32, #tpu.memory_space<vmem>> -> memref<4096xf32, #tpu.memory_space<vmem>>
        %dma_start3A_43 = tpu.memref_slice %arg2[%multiple_of3A_20] : memref<6291456xf32, #tpu.memory_space<hbm>> -> memref<4096xf32, #tpu.memory_space<hbm>>
        %dma_start3A_44 = arith.constant 8192 : i32
        %dma_start3A_45 = tpu.memref_slice %arg5[%dma_start3A_44] : memref<24576xf32, #tpu.memory_space<vmem>> -> memref<4096xf32, #tpu.memory_space<vmem>>
        %dma_start3A_46 = tpu.memref_slice %arg2[%multiple_of3A_20] : memref<6291456xf32, #tpu.memory_space<hbm>> -> memref<4096xf32, #tpu.memory_space<hbm>>
        tpu.enqueue_dma source(%dma_start3A_46 : memref<4096xf32, #tpu.memory_space<hbm>>) target(%dma_start3A_45 : memref<4096xf32, #tpu.memory_space<vmem>>) target_semaphore(%run_scoped3A : memref<!tpu.dma_semaphore, #tpu.memory_space<semaphore_mem>>)
        %dma_wait3A = arith.constant 8192 : i32
        %dma_wait3A_47 = tpu.memref_slice %arg5[%dma_wait3A] : memref<24576xf32, #tpu.memory_space<vmem>> -> memref<4096xf32, #tpu.memory_space<vmem>>
        %dma_wait3A_48 = tpu.memref_slice %arg2[%multiple_of3A_20] : memref<6291456xf32, #tpu.memory_space<hbm>> -> memref<4096xf32, #tpu.memory_space<hbm>>
        %dma_wait3A_49 = arith.constant 8192 : i32
        %dma_wait3A_50 = tpu.memref_slice %arg5[%dma_wait3A_49] : memref<24576xf32, #tpu.memory_space<vmem>> -> memref<4096xf32, #tpu.memory_space<vmem>>
        %dma_wait3A_51 = tpu.memref_slice %arg2[%multiple_of3A_20] : memref<6291456xf32, #tpu.memory_space<hbm>> -> memref<4096xf32, #tpu.memory_space<hbm>>
        tpu.wait_dma2 semaphore(%run_scoped3A : memref<!tpu.dma_semaphore, #tpu.memory_space<semaphore_mem>>) src(%dma_wait3A_51 : memref<4096xf32, #tpu.memory_space<hbm>>) dst(%dma_wait3A_50 : memref<4096xf32, #tpu.memory_space<vmem>>)
        tpu.yield
      }) : () -> ()
      %add3A_21 = arith.constant 3145728 : i32
      %add3A_22 = arith.addi %add3A_21, %multiple_of3A : i32
      %multiple_of3A_23 = tpu.assume_multiple %add3A_22, 4096 : i32
      "tpu.region"() ({
        %run_scoped3A = tpu.sem_alloc : memref<!tpu.dma_semaphore, #tpu.memory_space<semaphore_mem>>
        %dma_start3A = arith.constant 12288 : i32
        %dma_start3A_42 = tpu.memref_slice %arg5[%dma_start3A] : memref<24576xf32, #tpu.memory_space<vmem>> -> memref<4096xf32, #tpu.memory_space<vmem>>
        %dma_start3A_43 = tpu.memref_slice %arg2[%multiple_of3A_23] : memref<6291456xf32, #tpu.memory_space<hbm>> -> memref<4096xf32, #tpu.memory_space<hbm>>
        %dma_start3A_44 = arith.constant 12288 : i32
        %dma_start3A_45 = tpu.memref_slice %arg5[%dma_start3A_44] : memref<24576xf32, #tpu.memory_space<vmem>> -> memref<4096xf32, #tpu.memory_space<vmem>>
        %dma_start3A_46 = tpu.memref_slice %arg2[%multiple_of3A_23] : memref<6291456xf32, #tpu.memory_space<hbm>> -> memref<4096xf32, #tpu.memory_space<hbm>>
        tpu.enqueue_dma source(%dma_start3A_46 : memref<4096xf32, #tpu.memory_space<hbm>>) target(%dma_start3A_45 : memref<4096xf32, #tpu.memory_space<vmem>>) target_semaphore(%run_scoped3A : memref<!tpu.dma_semaphore, #tpu.memory_space<semaphore_mem>>)
        %dma_wait3A = arith.constant 12288 : i32
        %dma_wait3A_47 = tpu.memref_slice %arg5[%dma_wait3A] : memref<24576xf32, #tpu.memory_space<vmem>> -> memref<4096xf32, #tpu.memory_space<vmem>>
        %dma_wait3A_48 = tpu.memref_slice %arg2[%multiple_of3A_23] : memref<6291456xf32, #tpu.memory_space<hbm>> -> memref<4096xf32, #tpu.memory_space<hbm>>
        %dma_wait3A_49 = arith.constant 12288 : i32
        %dma_wait3A_50 = tpu.memref_slice %arg5[%dma_wait3A_49] : memref<24576xf32, #tpu.memory_space<vmem>> -> memref<4096xf32, #tpu.memory_space<vmem>>
        %dma_wait3A_51 = tpu.memref_slice %arg2[%multiple_of3A_23] : memref<6291456xf32, #tpu.memory_space<hbm>> -> memref<4096xf32, #tpu.memory_space<hbm>>
        tpu.wait_dma2 semaphore(%run_scoped3A : memref<!tpu.dma_semaphore, #tpu.memory_space<semaphore_mem>>) src(%dma_wait3A_51 : memref<4096xf32, #tpu.memory_space<hbm>>) dst(%dma_wait3A_50 : memref<4096xf32, #tpu.memory_space<vmem>>)
        tpu.yield
      }) : () -> ()
      %add3A_24 = arith.constant 4194304 : i32
      %add3A_25 = arith.addi %add3A_24, %multiple_of3A : i32
      %multiple_of3A_26 = tpu.assume_multiple %add3A_25, 4096 : i32
      "tpu.region"() ({
        %run_scoped3A = tpu.sem_alloc : memref<!tpu.dma_semaphore, #tpu.memory_space<semaphore_mem>>
        %dma_start3A = arith.constant 16384 : i32
        %dma_start3A_42 = tpu.memref_slice %arg5[%dma_start3A] : memref<24576xf32, #tpu.memory_space<vmem>> -> memref<4096xf32, #tpu.memory_space<vmem>>
        %dma_start3A_43 = tpu.memref_slice %arg2[%multiple_of3A_26] : memref<6291456xf32, #tpu.memory_space<hbm>> -> memref<4096xf32, #tpu.memory_space<hbm>>
        %dma_start3A_44 = arith.constant 16384 : i32
        %dma_start3A_45 = tpu.memref_slice %arg5[%dma_start3A_44] : memref<24576xf32, #tpu.memory_space<vmem>> -> memref<4096xf32, #tpu.memory_space<vmem>>
        %dma_start3A_46 = tpu.memref_slice %arg2[%multiple_of3A_26] : memref<6291456xf32, #tpu.memory_space<hbm>> -> memref<4096xf32, #tpu.memory_space<hbm>>
        tpu.enqueue_dma source(%dma_start3A_46 : memref<4096xf32, #tpu.memory_space<hbm>>) target(%dma_start3A_45 : memref<4096xf32, #tpu.memory_space<vmem>>) target_semaphore(%run_scoped3A : memref<!tpu.dma_semaphore, #tpu.memory_space<semaphore_mem>>)
        %dma_wait3A = arith.constant 16384 : i32
        %dma_wait3A_47 = tpu.memref_slice %arg5[%dma_wait3A] : memref<24576xf32, #tpu.memory_space<vmem>> -> memref<4096xf32, #tpu.memory_space<vmem>>
        %dma_wait3A_48 = tpu.memref_slice %arg2[%multiple_of3A_26] : memref<6291456xf32, #tpu.memory_space<hbm>> -> memref<4096xf32, #tpu.memory_space<hbm>>
        %dma_wait3A_49 = arith.constant 16384 : i32
        %dma_wait3A_50 = tpu.memref_slice %arg5[%dma_wait3A_49] : memref<24576xf32, #tpu.memory_space<vmem>> -> memref<4096xf32, #tpu.memory_space<vmem>>
        %dma_wait3A_51 = tpu.memref_slice %arg2[%multiple_of3A_26] : memref<6291456xf32, #tpu.memory_space<hbm>> -> memref<4096xf32, #tpu.memory_space<hbm>>
        tpu.wait_dma2 semaphore(%run_scoped3A : memref<!tpu.dma_semaphore, #tpu.memory_space<semaphore_mem>>) src(%dma_wait3A_51 : memref<4096xf32, #tpu.memory_space<hbm>>) dst(%dma_wait3A_50 : memref<4096xf32, #tpu.memory_space<vmem>>)
        tpu.yield
      }) : () -> ()
      %add3A_27 = arith.constant 5242880 : i32
      %add3A_28 = arith.addi %add3A_27, %multiple_of3A : i32
      %multiple_of3A_29 = tpu.assume_multiple %add3A_28, 4096 : i32
      "tpu.region"() ({
        %run_scoped3A = tpu.sem_alloc : memref<!tpu.dma_semaphore, #tpu.memory_space<semaphore_mem>>
        %dma_start3A = arith.constant 20480 : i32
        %dma_start3A_42 = tpu.memref_slice %arg5[%dma_start3A] : memref<24576xf32, #tpu.memory_space<vmem>> -> memref<4096xf32, #tpu.memory_space<vmem>>
        %dma_start3A_43 = tpu.memref_slice %arg2[%multiple_of3A_29] : memref<6291456xf32, #tpu.memory_space<hbm>> -> memref<4096xf32, #tpu.memory_space<hbm>>
        %dma_start3A_44 = arith.constant 20480 : i32
        %dma_start3A_45 = tpu.memref_slice %arg5[%dma_start3A_44] : memref<24576xf32, #tpu.memory_space<vmem>> -> memref<4096xf32, #tpu.memory_space<vmem>>
        %dma_start3A_46 = tpu.memref_slice %arg2[%multiple_of3A_29] : memref<6291456xf32, #tpu.memory_space<hbm>> -> memref<4096xf32, #tpu.memory_space<hbm>>
        tpu.enqueue_dma source(%dma_start3A_46 : memref<4096xf32, #tpu.memory_space<hbm>>) target(%dma_start3A_45 : memref<4096xf32, #tpu.memory_space<vmem>>) target_semaphore(%run_scoped3A : memref<!tpu.dma_semaphore, #tpu.memory_space<semaphore_mem>>)
        %dma_wait3A = arith.constant 20480 : i32
        %dma_wait3A_47 = tpu.memref_slice %arg5[%dma_wait3A] : memref<24576xf32, #tpu.memory_space<vmem>> -> memref<4096xf32, #tpu.memory_space<vmem>>
        %dma_wait3A_48 = tpu.memref_slice %arg2[%multiple_of3A_29] : memref<6291456xf32, #tpu.memory_space<hbm>> -> memref<4096xf32, #tpu.memory_space<hbm>>
        %dma_wait3A_49 = arith.constant 20480 : i32
        %dma_wait3A_50 = tpu.memref_slice %arg5[%dma_wait3A_49] : memref<24576xf32, #tpu.memory_space<vmem>> -> memref<4096xf32, #tpu.memory_space<vmem>>
        %dma_wait3A_51 = tpu.memref_slice %arg2[%multiple_of3A_29] : memref<6291456xf32, #tpu.memory_space<hbm>> -> memref<4096xf32, #tpu.memory_space<hbm>>
        tpu.wait_dma2 semaphore(%run_scoped3A : memref<!tpu.dma_semaphore, #tpu.memory_space<semaphore_mem>>) src(%dma_wait3A_51 : memref<4096xf32, #tpu.memory_space<hbm>>) dst(%dma_wait3A_50 : memref<4096xf32, #tpu.memory_space<vmem>>)
        tpu.yield
      }) : () -> ()
      %scan3A_30 = arith.constant 0 : i32
      %scan3A_31 = arith.constant 0 : i32
      %scan3A_32 = arith.constant 256 : i32
      %scan3A_33 = arith.addi %scan3A_31, %scan3A_32 : i32
      %scan3A_34 = arith.constant 1 : i32
      scf.for %scan3A_42 = %scan3A_31 to %scan3A_33 step %scan3A_34  : i32 {
        %mul3A_43 = arith.constant 16 : i32
        %mul3A_44 = arith.muli %scan3A_42, %mul3A_43 : i32
        %get3A = arith.index_cast %mul3A_44 : i32 to index
        %get3A_45 = tpu.vector_load %arg5[%get3A] {strides = array<i32>} : memref<24576xf32, #tpu.memory_space<vmem>>, vector<16xf32>,
        %get3A_46 = vector.shape_cast %get3A_45 : vector<16xf32> to vector<16xf32>
        %add3A_47 = arith.constant 4096 : i32
        %add3A_48 = arith.addi %add3A_47, %mul3A_44 : i32
        %get3A_49 = arith.index_cast %add3A_48 : i32 to index
        %get3A_50 = tpu.vector_load %arg5[%get3A_49] {strides = array<i32>} : memref<24576xf32, #tpu.memory_space<vmem>>, vector<16xf32>,
        %get3A_51 = vector.shape_cast %get3A_50 : vector<16xf32> to vector<16xf32>
        %add3A_52 = arith.constant 8192 : i32
        %add3A_53 = arith.addi %add3A_52, %mul3A_44 : i32
        %get3A_54 = arith.index_cast %add3A_53 : i32 to index
        %get3A_55 = tpu.vector_load %arg5[%get3A_54] {strides = array<i32>} : memref<24576xf32, #tpu.memory_space<vmem>>, vector<16xf32>,
        %get3A_56 = vector.shape_cast %get3A_55 : vector<16xf32> to vector<16xf32>
        %add3A_57 = arith.constant 12288 : i32
        %add3A_58 = arith.addi %add3A_57, %mul3A_44 : i32
        %get3A_59 = arith.index_cast %add3A_58 : i32 to index
        %get3A_60 = tpu.vector_load %arg5[%get3A_59] {strides = array<i32>} : memref<24576xf32, #tpu.memory_space<vmem>>, vector<16xf32>,
        %get3A_61 = vector.shape_cast %get3A_60 : vector<16xf32> to vector<16xf32>
        %add3A_62 = arith.constant 16384 : i32
        %add3A_63 = arith.addi %add3A_62, %mul3A_44 : i32
        %get3A_64 = arith.index_cast %add3A_63 : i32 to index
        %get3A_65 = tpu.vector_load %arg5[%get3A_64] {strides = array<i32>} : memref<24576xf32, #tpu.memory_space<vmem>>, vector<16xf32>,
        %get3A_66 = vector.shape_cast %get3A_65 : vector<16xf32> to vector<16xf32>
        %add3A_67 = arith.constant 20480 : i32
        %add3A_68 = arith.addi %add3A_67, %mul3A_44 : i32
        %get3A_69 = arith.index_cast %add3A_68 : i32 to index
        %get3A_70 = tpu.vector_load %arg5[%get3A_69] {strides = array<i32>} : memref<24576xf32, #tpu.memory_space<vmem>>, vector<16xf32>,
        %get3A_71 = vector.shape_cast %get3A_70 : vector<16xf32> to vector<16xf32>
        %abs3A = math.absf %get3A_61 : vector<16xf32>
        %abs3A_72 = math.absf %get3A_66 : vector<16xf32>
        %max3A = arith.maximumf %abs3A, %abs3A_72 : vector<16xf32>
        %abs3A_73 = math.absf %get3A_71 : vector<16xf32>
        %max3A_74 = arith.maximumf %max3A, %abs3A_73 : vector<16xf32>
        %div3A = arith.divf %get3A_61, %max3A_74 : vector<16xf32>
        %div3A_75 = arith.divf %get3A_66, %max3A_74 : vector<16xf32>
        %div3A_76 = arith.divf %get3A_71, %max3A_74 : vector<16xf32>
        %broadcast_in_dim3A = arith.constant 0 : i32
        %broadcast_in_dim3A_77 = vector.broadcast %broadcast_in_dim3A : i32 to vector<16xi32>
        %le3A = arith.constant -1.000000e+00 : f32
        %le3A_78 = vector.broadcast %le3A : f32 to vector<16xf32>
        %le3A_79 = arith.cmpf ole, %div3A, %le3A_78 : vector<16xf32>
        %jit3A = arith.constant 1 : i32
        %broadcast_in_dim3A_80 = vector.broadcast %jit3A : i32 to vector<16xi32>
        %select_n3A = arith.select %le3A_79, %broadcast_in_dim3A_80, %broadcast_in_dim3A_77 : vector<16xi1>, vector<16xi32>
        %ge3A = arith.constant 1.000000e+00 : f32
        %ge3A_81 = vector.broadcast %ge3A : f32 to vector<16xf32>
        %ge3A_82 = arith.cmpf oge, %div3A_75, %ge3A_81 : vector<16xf32>
        %jit3A_83 = arith.constant 2 : i32
        %broadcast_in_dim3A_84 = vector.broadcast %jit3A_83 : i32 to vector<16xi32>
        %select_n3A_85 = arith.select %ge3A_82, %broadcast_in_dim3A_84, %select_n3A : vector<16xi1>, vector<16xi32>
        %le3A_86 = arith.constant -1.000000e+00 : f32
        %le3A_87 = vector.broadcast %le3A_86 : f32 to vector<16xf32>
        %le3A_88 = arith.cmpf ole, %div3A_75, %le3A_87 : vector<16xf32>
        %jit3A_89 = arith.constant 3 : i32
        %broadcast_in_dim3A_90 = vector.broadcast %jit3A_89 : i32 to vector<16xi32>
        %select_n3A_91 = arith.select %le3A_88, %broadcast_in_dim3A_90, %select_n3A_85 : vector<16xi1>, vector<16xi32>
        %ge3A_92 = arith.constant 1.000000e+00 : f32
        %ge3A_93 = vector.broadcast %ge3A_92 : f32 to vector<16xf32>
        %ge3A_94 = arith.cmpf oge, %div3A_76, %ge3A_93 : vector<16xf32>
        %jit3A_95 = arith.constant 4 : i32
        %broadcast_in_dim3A_96 = vector.broadcast %jit3A_95 : i32 to vector<16xi32>
        %select_n3A_97 = arith.select %ge3A_94, %broadcast_in_dim3A_96, %select_n3A_91 : vector<16xi1>, vector<16xi32>
        %le3A_98 = arith.constant -1.000000e+00 : f32
        %le3A_99 = vector.broadcast %le3A_98 : f32 to vector<16xf32>
        %le3A_100 = arith.cmpf ole, %div3A_76, %le3A_99 : vector<16xf32>
        %jit3A_101 = arith.constant 5 : i32
        %broadcast_in_dim3A_102 = vector.broadcast %jit3A_101 : i32 to vector<16xi32>
        %select_n3A_103 = arith.select %le3A_100, %broadcast_in_dim3A_102, %select_n3A_97 : vector<16xi1>, vector<16xi32>
        %mul3A_104 = arith.constant 5.000000e-01 : f32
        %mul3A_105 = vector.broadcast %mul3A_104 : f32 to vector<16xf32>
        %mul3A_106 = arith.mulf %get3A_46, %mul3A_105 : vector<16xf32>
        %add3A_107 = arith.constant 5.000000e-01 : f32
        %add3A_108 = vector.broadcast %add3A_107 : f32 to vector<16xf32>
        %add3A_109 = arith.addf %mul3A_106, %add3A_108 : vector<16xf32>
        %mul3A_110 = arith.constant 2.550000e+02 : f32
        %mul3A_111 = vector.broadcast %mul3A_110 : f32 to vector<16xf32>
        %mul3A_112 = arith.mulf %add3A_109, %mul3A_111 : vector<16xf32>
        %max3A_113 = arith.constant 0.000000e+00 : f32
        %max3A_114 = vector.broadcast %max3A_113 : f32 to vector<16xf32>
        %max3A_115 = arith.maximumf %mul3A_112, %max3A_114 : vector<16xf32>
        %min3A = arith.constant 2.550000e+02 : f32
        %min3A_116 = vector.broadcast %min3A : f32 to vector<16xf32>
        %min3A_117 = arith.minimumf %max3A_115, %min3A_116 : vector<16xf32>
        %convert_element_type3A = arith.fptosi %min3A_117 : vector<16xf32> to vector<16xi32>
        %mul3A_118 = arith.constant 5.000000e-01 : f32
        %mul3A_119 = vector.broadcast %mul3A_118 : f32 to vector<16xf32>
        %mul3A_120 = arith.mulf %get3A_51, %mul3A_119 : vector<16xf32>
        %add3A_121 = arith.constant 5.000000e-01 : f32
        %add3A_122 = vector.broadcast %add3A_121 : f32 to vector<16xf32>
        %add3A_123 = arith.addf %mul3A_120, %add3A_122 : vector<16xf32>
        %mul3A_124 = arith.constant 2.550000e+02 : f32
        %mul3A_125 = vector.broadcast %mul3A_124 : f32 to vector<16xf32>
        %mul3A_126 = arith.mulf %add3A_123, %mul3A_125 : vector<16xf32>
        %max3A_127 = arith.constant 0.000000e+00 : f32
        %max3A_128 = vector.broadcast %max3A_127 : f32 to vector<16xf32>
        %max3A_129 = arith.maximumf %mul3A_126, %max3A_128 : vector<16xf32>
        %min3A_130 = arith.constant 2.550000e+02 : f32
        %min3A_131 = vector.broadcast %min3A_130 : f32 to vector<16xf32>
        %min3A_132 = arith.minimumf %max3A_129, %min3A_131 : vector<16xf32>
        %convert_element_type3A_133 = arith.fptosi %min3A_132 : vector<16xf32> to vector<16xi32>
        %mul3A_134 = arith.constant 5.000000e-01 : f32
        %mul3A_135 = vector.broadcast %mul3A_134 : f32 to vector<16xf32>
        %mul3A_136 = arith.mulf %get3A_56, %mul3A_135 : vector<16xf32>
        %add3A_137 = arith.constant 5.000000e-01 : f32
        %add3A_138 = vector.broadcast %add3A_137 : f32 to vector<16xf32>
        %add3A_139 = arith.addf %mul3A_136, %add3A_138 : vector<16xf32>
        %mul3A_140 = arith.constant 2.550000e+02 : f32
        %mul3A_141 = vector.broadcast %mul3A_140 : f32 to vector<16xf32>
        %mul3A_142 = arith.mulf %add3A_139, %mul3A_141 : vector<16xf32>
        %max3A_143 = arith.constant 0.000000e+00 : f32
        %max3A_144 = vector.broadcast %max3A_143 : f32 to vector<16xf32>
        %max3A_145 = arith.maximumf %mul3A_142, %max3A_144 : vector<16xf32>
        %min3A_146 = arith.constant 2.550000e+02 : f32
        %min3A_147 = vector.broadcast %min3A_146 : f32 to vector<16xf32>
        %min3A_148 = arith.minimumf %max3A_145, %min3A_147 : vector<16xf32>
        %convert_element_type3A_149 = arith.fptosi %min3A_148 : vector<16xf32> to vector<16xi32>
        %mul3A_150 = arith.constant 393216 : i32
        %mul3A_151 = vector.broadcast %mul3A_150 : i32 to vector<16xi32>
        %mul3A_152 = arith.muli %convert_element_type3A, %mul3A_151 : vector<16xi32>
        %mul3A_153 = arith.constant 1536 : i32
        %mul3A_154 = vector.broadcast %mul3A_153 : i32 to vector<16xi32>
        %mul3A_155 = arith.muli %convert_element_type3A_133, %mul3A_154 : vector<16xi32>
        %add3A_156 = arith.addi %mul3A_152, %mul3A_155 : vector<16xi32>
        %mul3A_157 = arith.constant 6 : i32
        %mul3A_158 = vector.broadcast %mul3A_157 : i32 to vector<16xi32>
        %mul3A_159 = arith.muli %convert_element_type3A_149, %mul3A_158 : vector<16xi32>
        %add3A_160 = arith.addi %add3A_156, %mul3A_159 : vector<16xi32>
        %add3A_161 = arith.addi %add3A_160, %select_n3A_103 : vector<16xi32>
        %mul3A_162 = arith.constant 16 : i32
        %mul3A_163 = arith.muli %scan3A_42, %mul3A_162 : i32
        %swap3A = arith.index_cast %mul3A_163 : i32 to index
        %swap3A_164 = tpu.vector_load %arg6[%swap3A] {strides = array<i32>} : memref<4096xi32, #tpu.memory_space<vmem>>, vector<16xi32>,
        %swap3A_165 = vector.shape_cast %swap3A_164 : vector<16xi32> to vector<16xi32>
        %swap3A_166 = vector.shape_cast %add3A_161 : vector<16xi32> to vector<16xi32>
        tpu.vector_store %arg6[%swap3A], %swap3A_166 {strides = array<i32>} : memref<4096xi32, #tpu.memory_space<vmem>>, vector<16xi32>,
      }
      %scan3A_35 = arith.constant 256 : i32
      "tpu.region"() ({
        %run_scoped3A = tpu.sem_alloc : memref<!tpu.dma_semaphore, #tpu.memory_space<semaphore_mem>>
        %dma_start3A = tpu.memref_slice %arg3[%multiple_of3A] : memref<100663296xi32, #tpu.memory_space<hbm>> -> memref<4096xi32, #tpu.memory_space<hbm>>
        %dma_start3A_42 = tpu.memref_slice %arg3[%multiple_of3A] : memref<100663296xi32, #tpu.memory_space<hbm>> -> memref<4096xi32, #tpu.memory_space<hbm>>
        tpu.enqueue_dma source(%dma_start3A_42 : memref<4096xi32, #tpu.memory_space<hbm>>) target(%arg7 : memref<4096xi32, #tpu.memory_space<vmem>>) target_semaphore(%run_scoped3A : memref<!tpu.dma_semaphore, #tpu.memory_space<semaphore_mem>>)
        %dma_wait3A = tpu.memref_slice %arg3[%multiple_of3A] : memref<100663296xi32, #tpu.memory_space<hbm>> -> memref<4096xi32, #tpu.memory_space<hbm>>
        %dma_wait3A_43 = tpu.memref_slice %arg3[%multiple_of3A] : memref<100663296xi32, #tpu.memory_space<hbm>> -> memref<4096xi32, #tpu.memory_space<hbm>>
        tpu.wait_dma2 semaphore(%run_scoped3A : memref<!tpu.dma_semaphore, #tpu.memory_space<semaphore_mem>>) src(%dma_wait3A_43 : memref<4096xi32, #tpu.memory_space<hbm>>) dst(%arg7 : memref<4096xi32, #tpu.memory_space<vmem>>)
        tpu.yield
      }) : () -> ()
      %scan3A_36 = arith.constant 0 : i32
      %scan3A_37 = arith.constant 0 : i32
      %scan3A_38 = arith.constant 256 : i32
      %scan3A_39 = arith.addi %scan3A_37, %scan3A_38 : i32
      %scan3A_40 = arith.constant 1 : i32
      scf.for %scan3A_42 = %scan3A_37 to %scan3A_39 step %scan3A_40  : i32 {
        %mul3A_43 = arith.constant 16 : i32
        %mul3A_44 = arith.muli %scan3A_42, %mul3A_43 : i32
        %get3A = arith.index_cast %mul3A_44 : i32 to index
        %get3A_45 = tpu.vector_load %arg7[%get3A] {strides = array<i32>} : memref<4096xi32, #tpu.memory_space<vmem>>, vector<16xi32>,
        %get3A_46 = vector.shape_cast %get3A_45 : vector<16xi32> to vector<16xi32>
        %gt3A = arith.constant 128 : i32
        %gt3A_47 = vector.broadcast %gt3A : i32 to vector<16xi32>
        %gt3A_48 = arith.cmpi sgt, %get3A_46, %gt3A_47 : vector<16xi32>
        %jit3A = arith.constant 1 : i32
        %jit3A_49 = arith.constant 0 : i32
        %broadcast_in_dim3A = vector.broadcast %jit3A : i32 to vector<16xi32>
        %broadcast_in_dim3A_50 = vector.broadcast %jit3A_49 : i32 to vector<16xi32>
        %select_n3A = arith.select %gt3A_48, %broadcast_in_dim3A, %broadcast_in_dim3A_50 : vector<16xi1>, vector<16xi32>
        %mul3A_51 = arith.constant 16 : i32
        %mul3A_52 = arith.muli %scan3A_42, %mul3A_51 : i32
        %swap3A = arith.index_cast %mul3A_52 : i32 to index
        %swap3A_53 = tpu.vector_load %arg8[%swap3A] {strides = array<i32>} : memref<4096xi32, #tpu.memory_space<vmem>>, vector<16xi32>,
        %swap3A_54 = vector.shape_cast %swap3A_53 : vector<16xi32> to vector<16xi32>
        %swap3A_55 = vector.shape_cast %select_n3A : vector<16xi32> to vector<16xi32>
        tpu.vector_store %arg8[%swap3A], %swap3A_55 {strides = array<i32>} : memref<4096xi32, #tpu.memory_space<vmem>>, vector<16xi32>,
      }
      %scan3A_41 = arith.constant 256 : i32
      "tpu.region"() ({
        %run_scoped3A = tpu.sem_alloc : memref<!tpu.dma_semaphore, #tpu.memory_space<semaphore_mem>>
        %dma_start3A = tpu.memref_slice %arg4[%multiple_of3A] : memref<1048576xi32, #tpu.memory_space<hbm>> -> memref<4096xi32, #tpu.memory_space<hbm>>
        %dma_start3A_42 = tpu.memref_slice %arg4[%multiple_of3A] : memref<1048576xi32, #tpu.memory_space<hbm>> -> memref<4096xi32, #tpu.memory_space<hbm>>
        tpu.enqueue_dma source(%arg8 : memref<4096xi32, #tpu.memory_space<vmem>>) target(%dma_start3A_42 : memref<4096xi32, #tpu.memory_space<hbm>>) target_semaphore(%run_scoped3A : memref<!tpu.dma_semaphore, #tpu.memory_space<semaphore_mem>>)
        %dma_wait3A = tpu.memref_slice %arg4[%multiple_of3A] : memref<1048576xi32, #tpu.memory_space<hbm>> -> memref<4096xi32, #tpu.memory_space<hbm>>
        %dma_wait3A_43 = tpu.memref_slice %arg4[%multiple_of3A] : memref<1048576xi32, #tpu.memory_space<hbm>> -> memref<4096xi32, #tpu.memory_space<hbm>>
        tpu.wait_dma2 semaphore(%run_scoped3A : memref<!tpu.dma_semaphore, #tpu.memory_space<semaphore_mem>>) src(%arg8 : memref<4096xi32, #tpu.memory_space<vmem>>) dst(%dma_wait3A_43 : memref<4096xi32, #tpu.memory_space<hbm>>)
        tpu.yield
      }) : () -> ()
    }
    %scan3A_5 = arith.constant 8 : i32
    return
  }
}

</mosaic_0001>

<sc_bundles>
// kernel: kernel.3.cloned.1.call-start
scs
__scs_entry_jumppad:
0x0: {  	(pc) =	sbr.rel $0x88, $3  }
0x1: {  	(tag) =	ssettag $0x0;
	lr =	simm.s32 $0x1  }
0x2: {  	[smem:$0x3F9E] =	sst lr;
	_ =	strace $0xD0000000  }
0x3: {  	_ = 	snop  }
0x4: {  	_ = 	snop  }
0x5: {  	_ = 	snop  }
0x6: {  	_ = 	snop  }
0x7: {  	_ = 	snop  }
__scs_overlays_trampoline_lowered:
0x8: {  	[smem:$0x3FAD] =	sst s0  }
0x9: {  	[smem:$0x3FAE] =	sst s1  }
0xa: {  	[smem:$0x3FAF] =	sst s2  }
0xb: {  	[smem:$0x3FB0] =	sst s3  }
0xc: {  	[smem:$0x3FB1] =	sst s4  }
0xd: {  	[smem:$0x3FB2] =	sst s5  }
0xe: {  	[smem:$0x3FB3] =	sst s6  }
0xf: {  	[smem:$0x3FB4] =	sst s7  }
0x10: {  	[smem:$0x3FB5] =	sst s8  }
0x11: {  	[smem:$0x3FB6] =	sst s9;
	s0 =	simm.s32 @!p0 $0x0  }
0x12: {  	s1 =	sld [smem:$0x3F9C];
	s0 =	simm.s32 @p0 $0x1  }
0x13: {  	[smem:$0x3FB7] =	sst s0;
	s0 =	simm.s32 @!p1 $0x0  }
0x14: {  	s2 =	sld [smem:$0x3F9B];
	s0 =	simm.s32 @p1 $0x1  }
0x15: {  	[smem:$0x3FB8] =	sst s0;
	s0 =	simm.s32 @!p2 $0x0  }
0x16: {  	s3 =	sld [smem:$0x3FDB];
	s0 =	simm.s32 @p2 $0x1  }
0x17: {  	s4 =	simm.s32 $0x1BF5;
	[smem:$0x3FBA] =	sst s0  }
0x18: {  	s0 =	sld [smem:$0x3F9D];
	_ =	swait.ge [sflag:s4], $0x0  }
0x19: {  	s7 =	sld [smem:$0x3F9E]  }
0x1a: {  	s8 =	sadd.s32 $0xFFFFE003, lr  }
0x1b: {  	s9 =	sadd.s32 $0xFFFFFEF7, lr;
	s5 =	simm.s32 $0xFFFFFFFF;
	p2 =	slt.u32 s8, $0xFFFFF086  }
0x1c: {  	p1 =	slt.u32 s9, $0xF7A;
	s5 =	simm.s32 @!p2 $0x0  }
0x1d: {  	s5 =	simm.s32 @p1 $0x1;
	p0 =	seq.s32 s7, s2  }
0x1e: {  	s7 =	smul.u32 @!p0 $0xF7A, s2;
	p2 =	seq.s32 @!p0 s5, $0x0  }
0x1f: {  	s9 =	smul.u32 $0xF7A, s1;
	s8 =	simm.s32 @!p0 $0x1BF5;
	p2 =	por !p2, p0  }
0x20: {  	[sflag:s8] =	ssyncset.s32 @!p0 $0xFFFFF086;
	s6 =	sadd.s32 @!p0 s3, s7;
	s7 =	simm.s32 @!p0 $0x108  }
0x21: {  	s3 =	sadd.s32 s3, s9;
	s6 =	sadd.s32 @!p0 $0x88, s6;
	s7 =	simm.s32 @p2 $0x1082  }
0x22: {  	[simem:s7], [sflag:s8] =	dma.local @!p0 [hbm:s6], $0xF7A  }
0x23: {  	s9 =	sor.u32 $0xD0000000, s2;
	s6 =	simm.s32 $0x108;
	_ =	swait.ge @!p0 [sflag:s8], $0x0  }
0x24: {  	s3 =	sadd.s32 $0x88, s3;
	s6 =	simm.s32 @!p1 $0x1082;
	[sflag:s4] =	ssyncset.s32 $0xFFFFF086  }
0x25: {  	[simem:s6], [sflag:s4] =	dma.local [hbm:s3], $0xF7A  }
0x26: {  	[smem:$0x3F9E] =	sst s1;
	(tag) =	ssettag s2;
	_ =	strace s9  }
0x27: {  	s1 =	sld [smem:$0x3FAE]  }
0x28: {  	s2 =	sld [smem:$0x3FAF]  }
0x29: {  	s4 =	sld [smem:$0x3FB1]  }
0x2a: {  	p0 =	seq.s32 s5, $0x0;
	s5 =	sld [smem:$0x3FB2]  }
0x2b: {  	s6 =	sld [smem:$0x3FB3]  }
0x2c: {  	s7 =	sld [smem:$0x3FB4]  }
0x2d: {  	s3 =	simm.s32 $0x108;
	s8 =	sld [smem:$0x3FB5]  }
0x2e: {  	s3 =	simm.s32 @!p0 $0x1082;
	s9 =	sld [smem:$0x3FB6]  }
0x2f: {  	lr =	sadd.s32 s0, s3;
	s0 =	sld [smem:$0x3FAD]  }
0x30: {  	s3 =	sld [smem:$0x3FB0]  }
0x31: {  	[smem:$0x3FB9] =	sst s10  }
0x32: {  	s10 =	sld [smem:$0x3FB7];
	_ =	sdelay $0x3  }
0x33: {  	p0 =	seq.s32 s10, $0x1;
	s10 =	sld [smem:$0x3FB9];
	_ =	sdelay $0x3  }
0x34: {  	[smem:$0x3FB9] =	sst s10  }
0x35: {  	s10 =	sld [smem:$0x3FB8];
	_ =	sdelay $0x3  }
0x36: {  	p1 =	seq.s32 s10, $0x1;
	s10 =	sld [smem:$0x3FB9];
	_ =	sdelay $0x3  }
0x37: {  	[smem:$0x3FB9] =	sst s10  }
0x38: {  	s10 =	sld [smem:$0x3FBA]  }
0x39: {  	_ = 	snop;
	(pc) =	sbr.ind lr, $3  }
0x3a: {  	_ = 	snop  }
0x3b: {  	_ = 	snop  }
0x3c: {  	p2 =	seq.s32 s10, $0x1;
	s10 =	sld [smem:$0x3FB9]  }
0x3d: {  	_ =	shalt  }
0x3e: {  	_ =	shalt  }
0x3f: {  	_ =	shalt  }
0x40: {  	_ =	shalt  }
0x41: {  	_ =	shalt  }
0x42: {  	_ =	shalt  }
0x43: {  	_ =	shalt  }
0x44: {  	_ =	shalt  }
0x45: {  	_ =	shalt  }
0x46: {  	_ =	shalt  }
0x47: {  	_ =	shalt  }
0x48: {  	_ =	shalt  }
0x49: {  	_ =	shalt  }
0x4a: {  	_ =	shalt  }
0x4b: {  	_ =	shalt  }
0x4c: {  	_ =	shalt  }
0x4d: {  	_ =	shalt  }
0x4e: {  	_ =	shalt  }
0x4f: {  	_ =	shalt  }
0x50: {  	_ =	shalt  }
0x51: {  	_ =	shalt  }
0x52: {  	_ =	shalt  }
0x53: {  	_ =	shalt  }
0x54: {  	_ =	shalt  }
0x55: {  	_ =	shalt  }
0x56: {  	_ =	shalt  }
0x57: {  	_ =	shalt  }
0x58: {  	_ =	shalt  }
0x59: {  	_ =	shalt  }
0x5a: {  	_ =	shalt  }
0x5b: {  	_ =	shalt  }
0x5c: {  	_ =	shalt  }
0x5d: {  	_ =	shalt  }
0x5e: {  	_ =	shalt  }
0x5f: {  	_ =	shalt  }
0x60: {  	_ =	shalt  }
0x61: {  	_ =	shalt  }
0x62: {  	_ =	shalt  }
0x63: {  	_ =	shalt  }
0x64: {  	_ =	shalt  }
0x65: {  	_ =	shalt  }
0x66: {  	_ =	shalt  }
0x67: {  	_ =	shalt  }
0x68: {  	_ =	shalt  }
0x69: {  	_ =	shalt  }
0x6a: {  	_ =	shalt  }
0x6b: {  	_ =	shalt  }
0x6c: {  	_ =	shalt  }
0x6d: {  	_ =	shalt  }
0x6e: {  	_ =	shalt  }
0x6f: {  	_ =	shalt  }
0x70: {  	_ =	shalt  }
0x71: {  	_ =	shalt  }
0x72: {  	_ =	shalt  }
0x73: {  	_ =	shalt  }
0x74: {  	_ =	shalt  }
0x75: {  	_ =	shalt  }
0x76: {  	_ =	shalt  }
0x77: {  	_ =	shalt  }
0x78: {  	_ =	shalt  }
0x79: {  	_ =	shalt  }
0x7a: {  	_ =	shalt  }
0x7b: {  	_ =	shalt  }
0x7c: {  	_ =	shalt  }
0x7d: {  	_ =	shalt  }
0x7e: {  	_ =	shalt  }
0x7f: {  	_ =	shalt  }
0x80: {  	_ =	shalt  }
0x81: {  	_ =	shalt  }
0x82: {  	_ =	shalt  }
0x83: {  	_ =	shalt  }
0x84: {  	_ =	shalt  }
0x85: {  	_ =	shalt  }
0x86: {  	_ =	shalt  }
0x87: {  	_ =	shalt  }
.Lfunc_end0:
.L_simem_size_0:
called_computation_lowered:
.L_overlay_start_0:
0x88: {  	s2 =	sld [smem:$0x3FD9]  }
0x89: {  	s3 =	sld [smem:$0x3FFE];
	_ =	sdelay $0x1  }
0x8a: {  	s1 =	srdreg.scid  }
0x8b: {  	s0 =	sand.u32 $0x1, s1  }
0x8c: {  	s16 =	sshll.u32 s0, $0xA;
	s2 =	sadd.s32 s3, s2  }
0x8d: {  	s2 =	sadd.s32 s2, s16  }
0x8e: {  	[smem:$0x3FC5] =	sst s2  }
0x8f: {  	_ = 	snop  }
0x90: {  	(tm) =	ssettm $0x1  }
0x91: {  	s17 =	sld [smem:$0x3FFB];
	_ =	sdelay $0x3  }
0x92: {  	_ =	strace s17  }
0x93: {  	s2 =	sld [smem:$0x3FFC];
	_ =	sdelay $0x3  }
0x94: {  	_ =	strace s2  }
0x95: {  	s2 =	sld [smem:$0x3FFD];
	_ =	sdelay $0x3  }
0x96: {  	_ =	strace s2  }
0x97: {  	_ =	strace $0x8FFFFFFF  }
0x98: {  	s18 =	sld [smem:$0x3FDB];
	_ =	sdelay $0x1  }
0x99: {  	s19 =	simm.s32 $_scs_section_size  }
0x9a: {  	s4 =	simm.s32 $_size__tile_overlayer_lowered;
	s5 =	simm.s32 $_tile_overlayer_lowered  }
0x9b: {  	s22 =	simm.s32 $0x1BFF;
	s21 =	sshll.u32 s5, $0x1;
	s2 =	sadd.s32 s19, s18  }
0x9c: {  	s6 =	simm.s32 $0x0;
	s20 =	sshll.u32 s4, $0x1;
	s4 =	sadd.s32 s21, s2  }
0x9d: {  	[timem:s6], [sflag:s22] =	dma.local [hbm:s4], s20  }
0x9e: {  	_ =	swait.ge [sflag:s22], s20  }
0x9f: {  	s3 =	ssub.s32 $0x0, s20;
	[sflag:s22] =	ssyncset.done $0x0  }
0xa0: {  	[sflag:s22] =	ssyncadd.s32 s3;
	_ =	sdelay $0x1  }
0xa1: {  	s23 =	simm.s32 $0x1B8B  }
0xa2: {  	_ =	swait.ge [sflag:s23], $0x1  }
0xa3: {  	[sflag:s23] =	ssyncset.done $0x0  }
0xa4: {  	s25 =	simm.s32 $0x1B8E;
	s24 =	sld [smem:$0x3FFE];
	[sflag:s23] =	ssyncadd.s32 $0xFFFFFFFF  }
0xa5: {  	s26 =	simm.s32 $execute0_lowered;
	[smem:$0x3FD2] =	sst s25  }
0xa6: {  	s4 =	sshll.u32 s26, $0x1;
	_ =	strace $0x80000046;
	[dreg:$0x1] =	wrdreg $0xFFFFFFFF  }
0xa7: {  	s28 =	simm.s32 $_size_execute0_lowered;
	s2 =	sadd.s32 s2, s4;
	[dreg:$0x0] =	wrdreg $0x0  }
0xa8: {  	s4 =	sshll.u32 s28, $0x1;
	[dreg:$0x2] =	wrdreg s2  }
0xa9: {  	[dreg:$0x3] =	wrdreg s4  }
0xaa: {  	[dreg:$0x4] =	wrdreg $0xC0  }
0xab: {  	_ =	task [dreg:s6], $0x5FFFF  }
0xac: {  	[dreg:$0x1] =	wrdreg $0xFFFFFFFF  }
0xad: {  	[dreg:$0x0] =	wrdreg $0x60  }
0xae: {  	[dreg:$0x2] =	wrdreg s24  }
0xaf: {  	[dreg:$0x3] =	wrdreg $0x9  }
0xb0: {  	_ =	task.clear_ibuf [dreg:s6], $0x4FFFF;
	_ =	strace $0x90000046  }
0xb1: {  	s29 =	simm.s32 $0x9;
	_ =	strace $0x80000048  }
0xb2: {  	_ =	swait.ge [sflag:s29], $0x1  }
0xb3: {  	[sflag:s29] =	ssyncadd.s32 $0xFFFFFFFF  }
0xb4: {  	_ =	strace $0x90000048  }
0xb5: {  	_ =	sfence  }
0xb6: {  	s30 =	sld [smem:$0x0];
	_ =	sdelay $0x2  }
0xb7: {  	s31 =	sshll.u32 s1, $0xD;
	s1 =	sshrl.u32 s1, $0x2  }
0xb8: {  	s3 =	sand.u32 $0x4000, s31;
	s1 =	sadd.s32 s1, s30  }
0xb9: {  	s0 =	sor.u32 s3, s0;
	s1 =	sshll.u32 s1, $0x11  }
0xba: {  	s0 =	sor.u32 s1, s0  }
0xbb: {  	s0 =	sadd.s32 $0x8F2B, s0  }
0xbc: {  	[sflag:s0] =	ssyncadd.remote.s32 $0x1  }
0xbd: {  	_ =	sfence.sel $0xFFFF  }
0xbe: {  	[dreg:$0x0] =	wrdreg $0xFFFFFFFF;
	(pc) =	sbr.abs _section_cstart, $3  }
0xbf: {  	[dreg:$0x1] =	wrdreg $0xFFFFFFFF  }
0xc0: {  	_ =	task.clear_ibuf [dreg:s6], $0x2FFFF;
	_ =	strace $0x9FFFFFFF  }
0xc1: {  	(tm) =	ssettm $0x7FFFFFFF  }
tec
execute0_lowered:
.L_overlay_start_1:
0x0: {  	(tag) =	ssettag $0x1  }
0x1: {  	s11 =	rddreg [dreg:$0x0]  }
0x2: {  	s0 =	rddreg [dreg:$0x1]  }
0x3: {  	s1 =	simm.s32 $0x0;
	s2 =	srdreg.scid;
	s13 =	simm.s32 $0x1  }
0x4: {  	s14 =	simm.s32 $0x1000;
	s15 =	simm.s32 $0x2000;
	s16 =	simm.s32 $0x3000  }
0x5: {  	s17 =	simm.s32 $0x4000;
	s18 =	simm.s32 $0x5000;
	s19 =	simm.s32 $0x7000  }
0x6: {  	s20 =	simm.s32 $0x8000;
	s21 =	simm.s32 $0x0;
	[smem:$0x7FF] =	sst s1  }
0x7: {  	s3 =	sadd.s32 $0x600, s11;
	s5 =	sand.u32 $0x1, s2;
	s4 =	sadd.s32 $0x100C0600, s11  }
0x8: {  	s2 =	stileid.u32;
	s10 =	sadd.s32 $0x80600, s11;
	s6 =	ssub.s32 $0x2, s5  }
0x9: {  	_ =	strace $0x80000047;
	s8 =	sshll.u32 s2, $0xD;
	s7 =	sshrl.u32 s6, $0x1  }
0xa: {  	s9 =	sshll.u32 s5, $0xC;
	s5 =	sadd.s32 $0xC0600, s11;
	s12 =	ssub.s32 s6, s7  }
0xb: {  	s6 =	sor.u32 s9, s8;
	s7 =	sadd.s32 $0x20600, s11;
	s8 =	sadd.s32 $0x40600, s11  }
0xc: {  	v0 =	vimm.s32 $0x0;
	s9 =	sadd.s32 $0x60600, s11;
	s11 =	sadd.s32 $0xA0600, s11;
	s12 =	smax.u32 s12, $0x1  }
.LBB2_1:
0xd: {  	s22 =	simm.s32 $0x0  }
.LBB2_2:
0xe: {  	s23 =	sshll.u32 s22, $0x9  }
0xf: {  	s23 =	sadd.s32 s6, s23  }
0x10: {  	s24 =	simm.s32 $0x0;
	s25 =	sadd.s32 s3, s23  }
0x11: {  	[tilespmem:s24], [sflag:$0x1] =	stream.linear.gather [hbm4b:s25+s24], $0x1000, $0x38;
	[tilespmem:$0x9000] =	vst v63  }
0x12: {  	_ =	swait.ge [sflag:s13], $0x1000  }
0x13: {  	[sflag:s13] =	ssyncset.done $0x0  }
0x14: {  	s30 =	sadd.s32 s23, s7;
	[sflag:s13] =	ssyncadd.s32 $0xFFFFF000  }
0x15: {  	[tilespmem:s14], [sflag:$0x1] =	stream.linear.gather [hbm4b:s30+s24], $0x1000, $0x38;
	[tilespmem:$0x9000] =	vst v63  }
0x16: {  	_ =	swait.ge [sflag:s13], $0x1000  }
0x17: {  	[sflag:s13] =	ssyncset.done $0x0  }
0x18: {  	s31 =	sadd.s32 s23, s8;
	[sflag:s13] =	ssyncadd.s32 $0xFFFFF000  }
0x19: {  	[tilespmem:s15], [sflag:$0x1] =	stream.linear.gather [hbm4b:s31+s24], $0x1000, $0x38;
	[tilespmem:$0x9000] =	vst v63  }
0x1a: {  	_ =	swait.ge [sflag:s13], $0x1000  }
0x1b: {  	[sflag:s13] =	ssyncset.done $0x0  }
0x1c: {  	s26 =	sadd.s32 s23, s9;
	[sflag:s13] =	ssyncadd.s32 $0xFFFFF000  }
0x1d: {  	[tilespmem:s16], [sflag:$0x1] =	stream.linear.gather [hbm4b:s26+s24], $0x1000, $0x38;
	[tilespmem:$0x9000] =	vst v63  }
0x1e: {  	_ =	swait.ge [sflag:s13], $0x1000  }
0x1f: {  	[sflag:s13] =	ssyncset.done $0x0  }
0x20: {  	s29 =	sadd.s32 s23, s10;
	[sflag:s13] =	ssyncadd.s32 $0xFFFFF000  }
0x21: {  	[tilespmem:s17], [sflag:$0x1] =	stream.linear.gather [hbm4b:s29+s24], $0x1000, $0x38;
	[tilespmem:$0x9000] =	vst v63  }
0x22: {  	_ =	swait.ge [sflag:s13], $0x1000  }
0x23: {  	[sflag:s13] =	ssyncset.done $0x0  }
0x24: {  	s30 =	sadd.s32 s23, s11;
	[sflag:s13] =	ssyncadd.s32 $0xFFFFF000  }
0x25: {  	[tilespmem:s18], [sflag:$0x1] =	stream.linear.gather [hbm4b:s30+s24], $0x1000, $0x38;
	[tilespmem:$0x9000] =	vst v63  }
0x26: {  	_ =	swait.ge [sflag:s13], $0x1000  }
0x27: {  	[sflag:s13] =	ssyncset.done $0x0  }
0x28: {  	s31 =	sand.u32 $0xFF0, s24;
	[sflag:s13] =	ssyncadd.s32 $0xFFFFF000  }
0x29: {  	v1 =	vld [tilespmem:s31+$0x4000]  }
0x2a: {  	v2 =	vld [tilespmem:s31+$0x3000]  }
0x2b: {  	v3 =	vld [tilespmem:s31+$0x5000];
	_ =	sdelay $0x1  }
0x2c: {  	v4 =	vld [tilespmem:s31+$0x2000]  }
0x2d: {  	v5 =	vld [tilespmem:s24+$0x0]  }
0x2e: {  	v6 =	vand.u32 $0x7FFFFFFF, v2;
	v7 =	vand.u32 $0x7FFFFFFF, v1  }
0x2f: {  	v8 =	vld [tilespmem:s31+$0x1000];
	v60 =	vand.u32 $0x7FFFFFFF, v3;
	v6 =	vmax.f32 v6, v7  }
0x30: {  	v6 =	vmax.f32 v6, v60  }
0x31: {  	v4 =	vmul.f32 $5.000000000e-01, v4;
	(erf) = vrcp.f32 v6  }
0x32: {  	v5 =	vmul.f32 $5.000000000e-01, v5  }
0x33: {  	v4 =	vadd.f32 $5.000000000e-01, v4  }
0x34: {  	v61 =	vmul.f32 $5.000000000e-01, v8;
	v5 =	vadd.f32 $5.000000000e-01, v5  }
0x35: {  	v4 =	vmul.f32 $2.550000000e+02, v4  }
0x36: {  	v6 =	vadd.f32 $5.000000000e-01, v61;
	v5 =	vmul.f32 $2.550000000e+02, v5  }
0x37: {  	v4 =	vmax.f32 v4, $0.0e+00  }
0x38: {  	v6 =	vmul.f32 $2.550000000e+02, v6;
	v5 =	vmax.f32 v5, $0.0e+00;
	v4 =	vmin.f32 v4, $2.550000000e+02  }
0x39: {  	v5 =	vmin.f32 v5, $2.550000000e+02;
	v4 =	vtrunc.f32 v4  }
0x3a: {  	v6 =	vmax.f32 v6, $0.0e+00;
	v5 =	vtrunc.f32 v5;
	v4 =	vcvt.f32.s32 v4;
	v62 =	vpop (erf)  }
0x3b: {  	v6 =	vmin.f32 v6, $2.550000000e+02;
	v5 =	vcvt.f32.s32 v5;
	v2 =	vmul.f32 v62, v2  }
0x3c: {  	v6 =	vtrunc.f32 v6;
	v1 =	vmul.f32 v62, v1  }
0x3d: {  	v5 =	vmul.u32 $0x60000, v5;
	vm0 =	vle.f32 v2, $-1.000000000e+00;
	v2 =	vcvt.f32.s32 v6  }
0x3e: {  	v3 =	vmul.f32 v62, v3;
	vm12 =	vge.f32 v1, $1.000000000e+00;
	v63 =	vsel vm0, $0x1, v0  }
0x3f: {  	vm13 =	vle.f32 v1, $-1.000000000e+00;
	v6 =	vsel vm12, $0x2, v63;
	v1 =	vmul.u32 $0x600, v2  }
0x40: {  	v4 =	vmul.u32 $0x6, v4;
	vm14 =	vge.f32 v3, $1.000000000e+00;
	v2 =	vsel vm13, $0x3, v6  }
0x41: {  	vm15 =	vle.f32 v3, $-1.000000000e+00;
	v2 =	vsel vm14, $0x4, v2;
	v1 =	vadd.s32 v5, v1  }
0x42: {  	v2 =	vsel vm15, $0x5, v2;
	v1 =	vadd.s32 v4, v1  }
0x43: {  	s25 =	simm.s32 $0x6000;
	s26 =	simm.s32 $0x10;
	v1 =	vadd.s32 v2, v1  }
0x44: {  	s28 =	sand.u32 $0xFF0, s26;
	[tilespmem:s25+$0x0] =	vst v1  }
0x45: {  	s26 =	simm.s32 $0x20;
	v1 =	vld [tilespmem:s28+$0x4000]  }
.LBB2_3:
0x46: {  	p0 =	sne.s32 s26, $0xFF0;
	v2 =	vld [tilespmem:s28+$0x3000]  }
0x47: {  	v3 =	vld [tilespmem:s28+$0x5000];
	_ =	sdelay $0x1  }
0x48: {  	s24 =	sadd.s32 $0x10, s24;
	v4 =	vld [tilespmem:s28+$0x2000]  }
0x49: {  	v5 =	vld [tilespmem:s24+$0x0]  }
0x4a: {  	v7 =	vand.u32 $0x7FFFFFFF, v1;
	v6 =	vand.u32 $0x7FFFFFFF, v2  }
0x4b: {  	v8 =	vld [tilespmem:s28+$0x1000];
	v6 =	vmax.f32 v6, v7;
	v7 =	vand.u32 $0x7FFFFFFF, v3  }
0x4c: {  	v6 =	vmax.f32 v6, v7  }
0x4d: {  	v4 =	vmul.f32 $5.000000000e-01, v4;
	(erf) = vrcp.f32 v6  }
0x4e: {  	v5 =	vmul.f32 $5.000000000e-01, v5  }
0x4f: {  	v4 =	vadd.f32 $5.000000000e-01, v4  }
0x50: {  	v5 =	vadd.f32 $5.000000000e-01, v5;
	v6 =	vmul.f32 $5.000000000e-01, v8  }
0x51: {  	v4 =	vmul.f32 $2.550000000e+02, v4  }
0x52: {  	v5 =	vmul.f32 $2.550000000e+02, v5;
	v6 =	vadd.f32 $5.000000000e-01, v6  }
0x53: {  	v4 =	vmax.f32 v4, $0.0e+00  }
0x54: {  	v5 =	vmax.f32 v5, $0.0e+00;
	v6 =	vmul.f32 $2.550000000e+02, v6;
	v4 =	vmin.f32 v4, $2.550000000e+02  }
0x55: {  	v5 =	vmin.f32 v5, $2.550000000e+02;
	v4 =	vtrunc.f32 v4  }
0x56: {  	v5 =	vtrunc.f32 v5;
	v6 =	vmax.f32 v6, $0.0e+00;
	v4 =	vcvt.f32.s32 v4;
	v7 =	vpop (erf)  }
0x57: {  	v2 =	vmul.f32 v7, v2;
	v5 =	vcvt.f32.s32 v5;
	v6 =	vmin.f32 v6, $2.550000000e+02  }
0x58: {  	v1 =	vmul.f32 v7, v1;
	v6 =	vtrunc.f32 v6  }
0x59: {  	vm0 =	vle.f32 v2, $-1.000000000e+00;
	v2 =	vcvt.f32.s32 v6;
	v5 =	vmul.u32 $0x60000, v5  }
0x5a: {  	v3 =	vmul.f32 v7, v3;
	v6 =	vsel vm0, $0x1, v0;
	vm0 =	vge.f32 v1, $1.000000000e+00  }
0x5b: {  	v6 =	vsel vm0, $0x2, v6;
	vm0 =	vle.f32 v1, $-1.000000000e+00;
	v1 =	vmul.u32 $0x600, v2  }
0x5c: {  	v4 =	vmul.u32 $0x6, v4;
	v2 =	vsel vm0, $0x3, v6;
	vm0 =	vge.f32 v3, $1.000000000e+00  }
.Ltmp0:
0x5d: {  	v2 =	vsel vm0, $0x4, v2;
	vm0 =	vle.f32 v3, $-1.000000000e+00;
	v1 =	vadd.s32 v5, v1;
	(pc) =	sbr.rel @p0 .LBB2_3-.Ltmp0, $4  }
0x5e: {  	v2 =	vsel vm0, $0x5, v2;
	v1 =	vadd.s32 v4, v1  }
0x5f: {  	s25 =	sadd.s32 $0x10, s25;
	v1 =	vadd.s32 v2, v1  }
0x60: {  	s28 =	sand.u32 $0xFF0, s26;
	[tilespmem:s25+$0x0] =	vst v1  }
0x61: {  	s26 =	sadd.s32 $0x10, s26;
	v1 =	vld [tilespmem:s28+$0x4000]  }
0x62: {  	v2 =	vld [tilespmem:s28+$0x3000]  }
0x63: {  	v3 =	vld [tilespmem:s28+$0x5000];
	_ =	sdelay $0x1  }
0x64: {  	v4 =	vld [tilespmem:s28+$0x2000];
	s24 =	sadd.s32 $0x10, s24  }
0x65: {  	v5 =	vld [tilespmem:s24+$0x0]  }
0x66: {  	v7 =	vand.u32 $0x7FFFFFFF, v1;
	v6 =	vand.u32 $0x7FFFFFFF, v2  }
0x67: {  	v8 =	vld [tilespmem:s28+$0x1000];
	v60 =	vand.u32 $0x7FFFFFFF, v3;
	v6 =	vmax.f32 v6, v7  }
0x68: {  	v6 =	vmax.f32 v6, v60  }
0x69: {  	v4 =	vmul.f32 $5.000000000e-01, v4;
	(erf) = vrcp.f32 v6  }
0x6a: {  	v5 =	vmul.f32 $5.000000000e-01, v5  }
0x6b: {  	v4 =	vadd.f32 $5.000000000e-01, v4  }
0x6c: {  	v61 =	vmul.f32 $5.000000000e-01, v8;
	v5 =	vadd.f32 $5.000000000e-01, v5  }
0x6d: {  	v4 =	vmul.f32 $2.550000000e+02, v4  }
0x6e: {  	v6 =	vadd.f32 $5.000000000e-01, v61;
	v5 =	vmul.f32 $2.550000000e+02, v5  }
0x6f: {  	v4 =	vmax.f32 v4, $0.0e+00  }
0x70: {  	v6 =	vmul.f32 $2.550000000e+02, v6;
	v5 =	vmax.f32 v5, $0.0e+00;
	v4 =	vmin.f32 v4, $2.550000000e+02  }
0x71: {  	v5 =	vmin.f32 v5, $2.550000000e+02;
	v4 =	vtrunc.f32 v4  }
0x72: {  	v6 =	vmax.f32 v6, $0.0e+00;
	v5 =	vtrunc.f32 v5;
	v4 =	vcvt.f32.s32 v4;
	v62 =	vpop (erf)  }
0x73: {  	v6 =	vmin.f32 v6, $2.550000000e+02;
	v5 =	vcvt.f32.s32 v5;
	v2 =	vmul.f32 v62, v2  }
0x74: {  	v6 =	vtrunc.f32 v6;
	v1 =	vmul.f32 v62, v1  }
0x75: {  	v5 =	vmul.u32 $0x60000, v5;
	vm0 =	vle.f32 v2, $-1.000000000e+00;
	v2 =	vcvt.f32.s32 v6  }
0x76: {  	v3 =	vmul.f32 v62, v3;
	vm12 =	vge.f32 v1, $1.000000000e+00;
	v63 =	vsel vm0, $0x1, v0  }
0x77: {  	vm13 =	vle.f32 v1, $-1.000000000e+00;
	v6 =	vsel vm12, $0x2, v63;
	v1 =	vmul.u32 $0x600, v2  }
0x78: {  	v4 =	vmul.u32 $0x6, v4;
	vm14 =	vge.f32 v3, $1.000000000e+00;
	v2 =	vsel vm13, $0x3, v6  }
0x79: {  	vm15 =	vle.f32 v3, $-1.000000000e+00;
	v2 =	vsel vm14, $0x4, v2;
	v1 =	vadd.s32 v5, v1  }
0x7a: {  	v2 =	vsel vm15, $0x5, v2;
	v1 =	vadd.s32 v4, v1  }
0x7b: {  	s29 =	sadd.s32 $0x10, s25;
	v1 =	vadd.s32 v2, v1  }
0x7c: {  	s30 =	sadd.s32 s4, s23;
	s31 =	simm.s32 $0x0;
	[tilespmem:s29+$0x0] =	vst v1  }
0x7d: {  	[tilespmem:s19], [sflag:$0x1] =	stream.linear.gather [hbm4b:s30+s31], $0x1000, $0x38;
	[tilespmem:$0x9000] =	vst v63  }
0x7e: {  	_ =	swait.ge [sflag:s13], $0x1000  }
0x7f: {  	[sflag:s13] =	ssyncset.done $0x0  }
0x80: {  	s24 =	simm.s32 $0x0;
	[sflag:s13] =	ssyncadd.s32 $0xFFFFF000  }
0x81: {  	v1 =	vld [tilespmem:s24+$0x7000]  }
0x82: {  	s25 =	simm.s32 $0x40  }
.LBB2_5:
0x83: {  	p0 =	sne.s32 s25, $0x3FC0  }
.Ltmp1:
0x84: {  	_ = 	snop;
	(pc) =	sbr.rel @p0 .LBB2_5-.Ltmp1, $4  }
0x85: {  	_ = 	snop  }
0x86: {  	s26 =	sshra.s32 s25, $0x2;
	s25 =	sadd.s32 $0x40, s25;
	vm0 =	vgt.s32 v1, $0x80  }
0x87: {  	v1 =	vld [tilespmem:s26+$0x7000];
	v2 =	vsel vm0, $0x1, v0  }
0x88: {  	[tilespmem:s24+$0x8000] =	vst v2;
	s24 =	smov.u32 s26  }
0x89: {  	_ =	sdelay $0x2  }
0x8a: {  	s22 =	sadd.s32 $0x1, s22;
	vm0 =	vgt.s32 v1, $0x80  }
0x8b: {  	p0 =	sne.s32 s22, $0x8;
	v1 =	vsel vm0, $0x1, v0  }
.Ltmp2:
0x8c: {  	s23 =	sadd.s32 s5, s23;
	[tilespmem:s24+$0x8000] =	vst v1;
	(pc) =	sbr.rel @p0 .LBB2_2-.Ltmp2, $4  }
0x8d: {  	[hbm4b:s23+s1] =	stream.linear.scatter [tilespmem:s20], [sflag:$0x1], $0x1000, $0x38;
	[tilespmem:$0x9000] =	vst v63  }
0x8e: {  	_ =	swait.ge [sflag:s13], $0x1000  }
0x8f: {  	[sflag:s13] =	ssyncset.done $0x0  }
0x90: {  	[sflag:s13] =	ssyncadd.s32 $0xFFFFF000  }
0x91: {  	s21 =	sadd.s32 $0x1, s21  }
0x92: {  	p0 =	sne.s32 s21, s12  }
.Ltmp3:
0x93: {  	_ = 	snop;
	(pc) =	sbr.rel @p0 .LBB2_1-.Ltmp3, $1  }
0x94: {  	_ =	sdelay $0x3  }
0x95: {  	_ =	sfence.sel $0x180000  }
0x96: {  	[bflag:$0x0] =	sbarrier.arrive $0xFFFF  }
0x97: {  	p0 =	sne.s32 s2, $0x0;
	_ =	strace $0x90000047  }
0x98: {  	s0 =	sadd.s32 @!p0 $0x100000, s0;
	[bflag:$0x2] =	sbarrier.arrive $0xFFFF  }
0x99: {  	[sflag:s0] =	ssyncadd.tile.s32 @!p0 $0x1;
	_ =	shalt  }
.Lfunc_end2:
_tile_overlayer_lowered:
.L_overlay_start_2:
0x9a: {  	(tag) =	ssettag $0x2  }
0x9b: {  	s0 =	rddreg [dreg:$0x0];
	s2 =	stileid.u32  }
0x9c: {  	s1 =	rddreg [dreg:$0x1];
	p0 =	sne.s32 s2, $0x0  }
0x9d: {  	s3 =	rddreg [dreg:$0x2];
	[bflag:$0x3] =	sbarrier.arrive $0xFFFF;
	s2 =	simm.s32 @!p0 $0x1C01  }
0x9e: {  	[timem:s3], [sflag:s2] =	dma.local @!p0 [hbm:s0], s1  }
0x9f: {  	s0 =	simm.s32 @!p0 $0x1  }
0xa0: {  	_ =	swait.ge @!p0 [sflag:s0], s1  }
0xa1: {  	s1 =	ssub.s32 @!p0 $0x0, s1;
	[sflag:s0] =	ssyncset.done @!p0 $0x0  }
0xa2: {  	[sflag:s0] =	ssyncadd.s32 @!p0 s1  }
0xa3: {  	[bflag:$0x3] =	sbarrier.arrive $0xFFFF  }
0xa4: {  	_ =	shalt  }

</sc_bundles>
